<compile_context>
chip_gen: v7x
topology: tpu7x:2x2x1
jax: 0.10.2.dev20260603
libtpu: 0.0.44.dev20260713+nightly
codegen_flags: <defaults>
</compile_context>

<pallas_src>
import functools

import jax
import jax.numpy as jnp
from jax import lax
from jax.experimental import pallas as pl
from jax.experimental.pallas import tpu as pltpu
from jax.experimental.pallas import tpu_sc as plsc

N_NODES = 10000
N_GRAPHS = 256
E = 160000
E_PAD = 163840
EB = 2000
NB = E // EB
NROWS = 10016
NW = 32
CH = 128
PER_W = E_PAD // NW
N_CH = PER_W // CH
RPT = NROWS // 16
EPS = 1e-5


def _dotq(a, b):
    return lax.dot_general(a.astype(jnp.bfloat16), b.astype(jnp.bfloat16),
                           (((1,), (0,)), ((), ())),
                           preferred_element_type=jnp.float32)


def _bn_t(x, g, b):
    mu = jnp.mean(x, axis=0, keepdims=True)
    var = jnp.mean((x - mu) ** 2, axis=0, keepdims=True)
    return g * (x - mu) / jnp.sqrt(var + EPS) + b


def _pad2(w, r, c):
    return jnp.pad(w, ((0, r - w.shape[0]), (0, c - w.shape[1])))


def _pad1(v, n):
    return jnp.pad(v, (0, n - v.shape[0]))



@functools.partial(jax.jit, static_argnames=("dp",))
def _sc_gather(table, idx, dp):
    mesh = plsc.VectorSubcoreMesh(core_axis_name="c", subcore_axis_name="s")

    @functools.partial(
        pl.kernel, mesh=mesh,
        out_type=jax.ShapeDtypeStruct((E_PAD, dp), jnp.float32),
        compiler_params=pltpu.CompilerParams(use_tc_tiling_on_sc=False),
        scratch_types=[
            pltpu.VMEM((CH,), jnp.int32),
            pltpu.VMEM((CH, dp), jnp.float32),
            pltpu.SemaphoreType.DMA,
        ],
    )
    def gather_k(table_hbm, idx_hbm, out_hbm, idx_v, rows_v, sem):
        wid = lax.axis_index("s") * 2 + lax.axis_index("c")
        base = wid * PER_W

        def body(j, carry):
            off = base + j * CH
            pltpu.sync_copy(idx_hbm.at[pl.ds(off, CH)], idx_v)
            pltpu.async_copy(table_hbm.at[idx_v], rows_v, sem).wait()
            pltpu.sync_copy(rows_v, out_hbm.at[pl.ds(off, CH)])
            return carry

        lax.fori_loop(0, N_CH, body, 0)

    return gather_k(table, idx)


@functools.partial(jax.jit, static_argnames=("dp",))
def _sc_scatter_add(upd, dst, zeros, dp):
    mesh = plsc.VectorSubcoreMesh(core_axis_name="c", subcore_axis_name="s")

    @functools.partial(
        pl.kernel, mesh=mesh,
        out_type=jax.ShapeDtypeStruct((2, NROWS, dp), jnp.float32),
        compiler_params=pltpu.CompilerParams(use_tc_tiling_on_sc=False),
        scratch_types=[
            pltpu.VMEM((CH,), jnp.int32),
            pltpu.VMEM((CH, dp), jnp.float32),
            pltpu.VMEM_SHARED((NROWS, dp), jnp.float32),
            pltpu.SemaphoreType.DMA,
        ],
    )
    def scatter_k(upd_hbm, dst_hbm, zeros_hbm, out_hbm, idx_v, rows_v, acc_sh, sem):
        c = lax.axis_index("c")
        s = lax.axis_index("s")
        r0 = s * RPT
        pltpu.sync_copy(zeros_hbm.at[pl.ds(r0, RPT)], acc_sh.at[pl.ds(r0, RPT)])
        plsc.subcore_barrier()
        wid = s * 2 + c
        base = wid * PER_W

        def body(j, carry):
            off = base + j * CH
            pltpu.sync_copy(dst_hbm.at[pl.ds(off, CH)], idx_v)
            pltpu.sync_copy(upd_hbm.at[pl.ds(off, CH)], rows_v)
            pltpu.sync_copy(rows_v, acc_sh.at[idx_v], add=True)
            return carry

        lax.fori_loop(0, N_CH, body, 0)
        plsc.subcore_barrier()
        pltpu.sync_copy(acc_sh.at[pl.ds(r0, RPT)], out_hbm.at[c, pl.ds(r0, RPT)])

    return scatter_k(upd, dst, zeros)



def _embed_body(x_ref, w_ref, c_ref, out_ref):
    y = _dotq(x_ref[...], w_ref[...])
    out_ref[...] = jax.nn.silu(_bn_t(y, c_ref[0:1, :], c_ref[1:2, :]))


def _embed(x, w, consts, dp):
    return pl.pallas_call(
        _embed_body,
        out_shape=jax.ShapeDtypeStruct((N_NODES, dp), jnp.float32),
    )(x, w, consts)


def _ea_stats_body(ea_ref, out_ref, acc_ref):
    i = pl.program_id(0)

    @pl.when(i == 0)
    def _():
        acc_ref[...] = jnp.zeros_like(acc_ref)

    ea = ea_ref[...]
    s2 = lax.dot_general(ea, ea, (((0,), (0,)), ((), ())),
                         preferred_element_type=jnp.float32, precision=lax.Precision.HIGHEST)
    acc_ref[0:8, :] += s2
    acc_ref[8:9, :] += jnp.sum(ea, axis=0, keepdims=True)

    @pl.when(i == NB - 1)
    def _():
        out_ref[...] = acc_ref[...]


def _ea_stats(ea8):
    return pl.pallas_call(
        _ea_stats_body,
        grid=(NB,),
        in_specs=[pl.BlockSpec((EB, 8), lambda i: (i, 0))],
        out_specs=pl.BlockSpec((16, 8), lambda i: (0, 0)),
        out_shape=jax.ShapeDtypeStruct((16, 8), jnp.float32),
        scratch_shapes=[pltpu.VMEM((16, 8), jnp.float32)],
    )(ea8)


def _stage1_body(ea_ref, nsrc_ref, ndst_ref, w1m_ref, w2m_ref, w3m_ref,
                 w1s_ref, w2s_ref, w3s_ref, we_ref, c_ref,
                 ym_ref, ys_ref, mom_ref, acc_ref):
    i = pl.program_id(0)

    @pl.when(i == 0)
    def _():
        acc_ref[...] = jnp.zeros_like(acc_ref)

    z = _dotq(ea_ref[...], we_ref[...])
    hm = jax.nn.silu(z * c_ref[0:1, :] + c_ref[1:2, :])
    nsrc = nsrc_ref[...]
    ndst = ndst_ref[...]
    ym = (_dotq(nsrc, w1m_ref[...])
          + _dotq(ndst, w2m_ref[...])
          + _dotq(hm, w3m_ref[...]))
    ys = (_dotq(nsrc, w1s_ref[...])
          + _dotq(ndst, w2s_ref[...])
          + _dotq(hm, w3s_ref[...]))
    ym_ref[...] = ym
    ys_ref[...] = ys
    acc_ref[0:1, :] += jnp.sum(ym, axis=0, keepdims=True)
    acc_ref[1:2, :] += jnp.sum(ym * ym, axis=0, keepdims=True)
    acc_ref[2:3, :] += jnp.sum(ys, axis=0, keepdims=True)
    acc_ref[3:4, :] += jnp.sum(ys * ys, axis=0, keepdims=True)

    @pl.when(i == NB - 1)
    def _():
        mom_ref[...] = acc_ref[...]


def _stage1(ea8, nsrc, ndst, ws, we, consts, dp):
    full = lambda r, c: pl.BlockSpec((r, c), lambda i: (0, 0))
    blk = lambda: pl.BlockSpec((EB, dp), lambda i: (i, 0))
    return pl.pallas_call(
        _stage1_body,
        grid=(NB,),
        in_specs=[pl.BlockSpec((EB, 8), lambda i: (i, 0)), blk(), blk(),
                  full(dp, dp), full(dp, dp), full(dp, dp),
                  full(dp, dp), full(dp, dp), full(dp, dp),
                  full(8, dp), full(8, dp)],
        out_specs=[blk(), blk(), full(8, dp)],
        out_shape=[jax.ShapeDtypeStruct((E_PAD, dp), jnp.float32),
                   jax.ShapeDtypeStruct((E_PAD, dp), jnp.float32),
                   jax.ShapeDtypeStruct((8, dp), jnp.float32)],
        scratch_shapes=[pltpu.VMEM((8, dp), jnp.float32)],
    )(ea8, nsrc, ndst, *ws, we, consts)


def _stage2_body(ym_ref, ys_ref, mom_ref, c_ref, upd_ref):
    mom = mom_ref[...]
    inv_e = 1.0 / E
    mean_m = mom[0:1, :] * inv_e
    var_m = mom[1:2, :] * inv_e - mean_m * mean_m
    mean_s = mom[2:3, :] * inv_e
    var_s = mom[3:4, :] * inv_e - mean_s * mean_s
    am = (ym_ref[...] - mean_m) * (c_ref[0:1, :] * lax.rsqrt(var_m + EPS)) + c_ref[1:2, :]
    as_ = (ys_ref[...] - mean_s) * (c_ref[2:3, :] * lax.rsqrt(var_s + EPS)) + c_ref[3:4, :]
    upd_ref[...] = jax.nn.silu(am) * jax.nn.softplus(as_)


def _stage2(ym, ys, mom, consts, dp):
    full = lambda r, c: pl.BlockSpec((r, c), lambda i: (0, 0))
    blk = lambda: pl.BlockSpec((EB, dp), lambda i: (i, 0))
    return pl.pallas_call(
        _stage2_body,
        grid=(NB,),
        in_specs=[blk(), blk(), full(8, dp), full(8, dp)],
        out_specs=blk(),
        out_shape=jax.ShapeDtypeStruct((E_PAD, dp), jnp.float32),
    )(ym, ys, mom, consts)


def _node_update_body(acc_ref, node_ref, c_ref, out_ref):
    acc = acc_ref[...]
    agg = acc[0, 0:N_NODES, :] + acc[1, 0:N_NODES, :]
    node = node_ref[...]
    out_ref[...] = jax.nn.softplus(
        _bn_t(agg, c_ref[0:1, :], c_ref[1:2, :]) + node)


def _node_update(acc2, node, consts, dp):
    return pl.pallas_call(
        _node_update_body,
        out_shape=jax.ShapeDtypeStruct((N_NODES, dp), jnp.float32),
    )(acc2, node, consts)


def _pool_body(v_ref, gid_ref, out_ref, ssum_ref, cnt_ref):
    i = pl.program_id(0)

    @pl.when(i == 0)
    def _():
        ssum_ref[...] = jnp.zeros_like(ssum_ref)
        cnt_ref[...] = jnp.zeros_like(cnt_ref)

    oh = (gid_ref[...] == lax.broadcasted_iota(jnp.int32, (EB, N_GRAPHS), 1)
          ).astype(jnp.float32)
    ssum_ref[...] += lax.dot_general(oh, v_ref[...], (((0,), (0,)), ((), ())),
                                     preferred_element_type=jnp.float32, precision=lax.Precision.HIGHEST)
    cnt_ref[...] += lax.dot_general(oh, jnp.ones((EB, 8), jnp.float32),
                                    (((0,), (0,)), ((), ())),
                                    preferred_element_type=jnp.float32, precision=lax.Precision.HIGHEST)

    @pl.when(i == (N_NODES // EB) - 1)
    def _():
        d = out_ref.shape[1]
        out_ref[...] = ssum_ref[:, 0:d] / jnp.maximum(cnt_ref[:, 0:1], 1.0)


def _pool(v, gid2d, d, dp):
    return pl.pallas_call(
        _pool_body,
        grid=(N_NODES // EB,),
        in_specs=[pl.BlockSpec((EB, dp), lambda i: (i, 0)),
                  pl.BlockSpec((EB, 1), lambda i: (i, 0))],
        out_specs=pl.BlockSpec((N_GRAPHS, d), lambda i: (0, 0)),
        out_shape=jax.ShapeDtypeStruct((N_GRAPHS, d), jnp.float32),
        scratch_shapes=[pltpu.VMEM((N_GRAPHS, dp), jnp.float32),
                        pltpu.VMEM((N_GRAPHS, 8), jnp.float32)],
    )(v, gid2d)


def _head_body(vt_ref, watt_ref, catt_ref, w0_ref, c0_ref, w1_ref, c1_ref,
               w2_ref, c2_ref, wad_ref, cad_ref, wsi_ref, csi_ref,
               wt_ref, ct_ref, out_ref):
    vt = vt_ref[...]
    h = _bn_t(_dotq(vt, watt_ref[...]),
              catt_ref[0:1, :], catt_ref[1:2, :])
    eh = jnp.where(h > 0, h, jnp.exp(jnp.minimum(h, 0.0)) - 1.0)
    vt2 = _bn_t(eh * vt, catt_ref[2:3, :], catt_ref[3:4, :])
    x = vt2
    for w_ref, c_ref in ((w0_ref, c0_ref), (w1_ref, c1_ref), (w2_ref, c2_ref)):
        x = jax.nn.silu(_bn_t(
            _dotq(x, w_ref[...]),
            c_ref[0:1, :], c_ref[1:2, :]))
    ca = jax.nn.softmax(_bn_t(
        _dotq(x, wad_ref[...]),
        cad_ref[0:1, :], cad_ref[1:2, :]), axis=1)
    cs = jax.nn.softmax(_bn_t(
        _dotq(x, wsi_ref[...]),
        csi_ref[0:1, :], csi_ref[1:2, :]), axis=1)
    t = _dotq(x, wt_ref[...]) + ct_ref[0:1, 0:1]
    out_ref[...] = jnp.concatenate([ca, cs, t], axis=1)


def _head(vt, params):
    p = params
    catt = jnp.stack([p["atten"]["g"], p["atten"]["bt"],
                      p["atten_bn_g"], p["atten_bn_b"],
                      jnp.zeros_like(p["atten"]["g"]), jnp.zeros_like(p["atten"]["g"]),
                      jnp.zeros_like(p["atten"]["g"]), jnp.zeros_like(p["atten"]["g"])])
    args = [vt, p["atten"]["W"], catt]
    for fp in p["fcs"]:
        cw = jnp.stack([fp["g"], fp["bt"]] + [jnp.zeros_like(fp["g"])] * 6)
        args += [fp["W"], cw]
    for key in ("pred_adsb", "pred_site"):
        fp = p[key]
        cw = jnp.stack([fp["g"], fp["bt"]] + [jnp.zeros_like(fp["g"])] * 6)
        args += [fp["W"], cw]
    ct = jnp.zeros((8, 8), jnp.float32).at[0, 0].set(p["pred_target"]["b"][0])
    args += [p["pred_target"]["W"], ct]
    return pl.pallas_call(
        _head_body,
        out_shape=jax.ShapeDtypeStruct((N_GRAPHS, 10), jnp.float32),
    )(*args)



def _conv_layer(node, ea8, src_g, dst_g, dst_s, zeros_acc, p, mean_e, cov_e, dp):
    d = p["bn_g"].shape[0]
    we = _pad2(p["edgemlp"]["W"], 8, dp)
    ge = _pad1(p["edgemlp"]["g"], dp)
    bte = _pad1(p["edgemlp"]["bt"], dp)
    mu_z = mean_e @ we
    var_z = jnp.sum(we * (cov_e @ we), axis=0)
    scale = ge * lax.rsqrt(var_z + EPS)
    shift = bte - mu_z * scale
    c1 = jnp.zeros((8, dp), jnp.float32).at[0].set(scale).at[1].set(shift)

    wm = p["mlp"]["W"]
    wsc = p["screen"]["W"]
    ws = [_pad2(wm[0:d], dp, dp), _pad2(wm[d:2 * d], dp, dp), _pad2(wm[2 * d:], dp, dp),
          _pad2(wsc[0:d], dp, dp), _pad2(wsc[d:2 * d], dp, dp), _pad2(wsc[2 * d:], dp, dp)]

    nsrc = _sc_gather(node, src_g, dp)
    ndst = _sc_gather(node, dst_g, dp)
    ym, ys, mom = _stage1(ea8, nsrc, ndst, ws, we, c1, dp)

    c2 = (jnp.zeros((8, dp), jnp.float32)
          .at[0].set(_pad1(p["mlp"]["g"], dp)).at[1].set(_pad1(p["mlp"]["bt"], dp))
          .at[2].set(_pad1(p["screen"]["g"], dp)).at[3].set(_pad1(p["screen"]["bt"], dp)))
    upd = _stage2(ym, ys, mom, c2, dp)
    acc2 = _sc_scatter_add(upd, dst_s, zeros_acc, dp)
    c3 = jnp.zeros((8, dp), jnp.float32).at[0].set(_pad1(p["bn_g"], dp)).at[1].set(_pad1(p["bn_b"], dp))
    return _node_update(acc2, node, c3, dp)


def _branch(v_in, e_in, edge_index, node_graph, emb_p, convs, d, dp):
    w_emb = _pad2(emb_p["W"], v_in.shape[1], dp)
    c_emb = jnp.zeros((8, dp), jnp.float32).at[0].set(_pad1(emb_p["g"], dp)).at[1].set(_pad1(emb_p["bt"], dp))
    node = _embed(v_in, w_emb, c_emb, dp)

    ea8 = _pad2(e_in, E, 8)
    st = _ea_stats(ea8)
    mean_e = st[8, :] / E
    cov_e = st[0:8, :] / E - jnp.outer(mean_e, mean_e)

    src = edge_index[0].astype(jnp.int32)
    dst = edge_index[1].astype(jnp.int32)
    src_g = jnp.pad(src, (0, E_PAD - E))
    dst_g = jnp.pad(dst, (0, E_PAD - E))
    dst_s = jnp.pad(dst, (0, E_PAD - E), constant_values=N_NODES)
    zeros_acc = jnp.zeros((NROWS, dp), jnp.float32)

    for p in convs:
        node = _conv_layer(node, ea8, src_g, dst_g, dst_s, zeros_acc, p,
                           mean_e, cov_e, dp)

    gid2d = node_graph.astype(jnp.int32).reshape(N_NODES, 1)
    return _pool(node, gid2d, d, dp)


def kernel(va, ea, edge_index_a, node_graph_a, vs, es, edge_index_s,
           node_graph_s, params):
    pa = _branch(va, ea, edge_index_a, node_graph_a, params["emb_a"],
                 params["convs_a"], 110, 112)
    ps = _branch(vs, es, edge_index_s, node_graph_s, params["emb_s"],
                 params["convs_s"], 150, 160)
    vt = jnp.concatenate([pa, ps], axis=1)
    return _head(vt, params)

# --- scband reference (transcript-rebuilt; emitter-appended) ---
"""Pipeline reference for scband-asgcnn-pretrain-13194139533625 (READ-ONLY COPY).

The authoritative reference and input builder live on the scoring server;
editing this copy changes nothing except your own understanding.
"""

import jax, jax.numpy as jnp
import numpy as np

N_NODES = 10000
N_EDGES = 160000
N_GRAPHS = 256
DA = 110
DS = 150


def _lin(key, i, o):
    return {"W": jax.random.normal(key, (i, o), dtype=jnp.float32) / np.sqrt(i),
            "b": jnp.zeros((o,), jnp.float32),
            "g": jnp.ones((o,), jnp.float32),
            "bt": jnp.zeros((o,), jnp.float32)}


def _conv_params(key, d, de):
    ks = [jax.random.fold_in(key, i) for i in range(3)]
    return {"mlp": _lin(ks[0], 3 * d, d),
            "screen": _lin(ks[1], 3 * d, d),
            "edgemlp": _lin(ks[2], de, d),
            "bn_g": jnp.ones((d,), jnp.float32),
            "bn_b": jnp.zeros((d,), jnp.float32)}


def setup_inputs(seed: int = 0) -> dict:
    key = jax.random.key(seed)
    ks = [jax.random.fold_in(key, i) for i in range(64)]
    va = jax.random.normal(ks[0], (N_NODES, 101), jnp.float32)
    ea = jax.random.normal(ks[1], (N_EDGES, 6), jnp.float32)
    edge_index_a = jax.random.randint(ks[2], (2, N_EDGES), 0, N_NODES)
    node_graph_a = jnp.sort(jax.random.randint(ks[3], (N_NODES,), 0, N_GRAPHS))
    vs = jax.random.normal(ks[4], (N_NODES, 101), jnp.float32)
    es = jax.random.normal(ks[5], (N_EDGES, 8), jnp.float32)
    edge_index_s = jax.random.randint(ks[6], (2, N_EDGES), 0, N_NODES)
    node_graph_s = jnp.sort(jax.random.randint(ks[7], (N_NODES,), 0, N_GRAPHS))
    params = {
        "emb_a": _lin(ks[8], 101, DA),
        "convs_a": [_conv_params(ks[9 + i], DA, 6) for i in range(3)],
        "emb_s": _lin(ks[12], 101, DS),
        "convs_s": [_conv_params(ks[13 + i], DS, 8) for i in range(3)],
        "atten": _lin(ks[16], DA + DS, DA + DS),
        "atten_bn_g": jnp.ones((DA + DS,), jnp.float32),
        "atten_bn_b": jnp.zeros((DA + DS,), jnp.float32),
        "fcs": [_lin(ks[17], DA + DS, 80), _lin(ks[18], 80, 120), _lin(ks[19], 120, 10)],
        "pred_adsb": _lin(ks[20], 10, 5),
        "pred_site": _lin(ks[21], 10, 4),
        "pred_target": {"W": jax.random.normal(ks[22], (10, 1), jnp.float32) / np.sqrt(10.0),
                         "b": jnp.zeros((1,), jnp.float32)},
    }
    return {"va": va, "ea": ea, "edge_index_a": edge_index_a, "node_graph_a": node_graph_a,
            "vs": vs, "es": es, "edge_index_s": edge_index_s, "node_graph_s": node_graph_s,
            "params": params}


def _bn(x, g, b):
    mu = jnp.mean(x, axis=0)
    var = jnp.var(x, axis=0)
    return g * (x - mu) / jnp.sqrt(var + 1e-5) + b


def _mlp(x, p, act):
    return act(_bn(x @ p["W"] + p["b"], p["g"], p["bt"]))


def _conv(node, edge, src, dst, p):
    hm = _mlp(edge, p["edgemlp"], jax.nn.silu)
    hc = jnp.concatenate([node[src], node[dst], hm], axis=1)
    upd = _mlp(hc, p["mlp"], jax.nn.silu) * _mlp(hc, p["screen"], jax.nn.softplus)
    agg = jnp.zeros_like(node).at[dst].add(upd)
    return jax.nn.softplus(_bn(agg, p["bn_g"], p["bn_b"]) + node)


def _pool(v, gid):
    s = jax.ops.segment_sum(v, gid, num_segments=N_GRAPHS)
    c = jax.ops.segment_sum(jnp.ones((v.shape[0], 1), v.dtype), gid, num_segments=N_GRAPHS)
    return s / jnp.maximum(c, 1.0)


def _forward(va, ea, vs, es, params, edge_index_a, node_graph_a, edge_index_s, node_graph_s):
    v = _mlp(va, params["emb_a"], jax.nn.silu)
    for p in params["convs_a"]:
        v = _conv(v, ea, edge_index_a[0], edge_index_a[1], p)
    va_s = _pool(v, node_graph_a)
    w = _mlp(vs, params["emb_s"], jax.nn.silu)
    for p in params["convs_s"]:
        w = _conv(w, es, edge_index_s[0], edge_index_s[1], p)
    vs_s = _pool(w, node_graph_s)
    vt = jnp.concatenate([va_s, vs_s], axis=1)
    vt = _bn(_mlp(vt, params["atten"], jax.nn.elu) * vt, params["atten_bn_g"], params["atten_bn_b"])
    for p in params["fcs"]:
        vt = _mlp(vt, p, jax.nn.silu)
    pa = params["pred_adsb"]
    Cadsb = jax.nn.softmax(_bn(vt @ pa["W"] + pa["b"], pa["g"], pa["bt"]), axis=1)
    ps = params["pred_site"]
    Csite = jax.nn.softmax(_bn(vt @ ps["W"] + ps["b"], ps["g"], ps["bt"]), axis=1)
    t = vt @ params["pred_target"]["W"] + params["pred_target"]["b"]
    return jnp.concatenate([Cadsb, Csite, t], axis=1)


def reference(va, ea, edge_index_a, node_graph_a, vs, es, edge_index_s, node_graph_s, params):
    return _forward(va, ea, vs, es, params, edge_index_a, node_graph_a, edge_index_s, node_graph_s)

if __name__ == "__main__":
    import jax
    _d = setup_inputs()
    print(jax.jit(kernel)(*tuple(_d.values())))

</pallas_src>

<mosaic_0001>
#map = affine_map<(d0, d1) -> (0, 0)>
#map1 = affine_map<(d0, d1) -> (0)>
module attributes {stable_mosaic.version = 14 : i64} {
  func.func @gather_k(%arg0: i32, %arg1: i32, %arg2: memref<10000x112xf32, #tpu.memory_space<hbm>>, %arg3: memref<163840xi32, #tpu.memory_space<hbm>>, %arg4: memref<163840x112xf32, #tpu.memory_space<hbm>>, %arg5: memref<128xi32, #tpu.memory_space<vmem>>, %arg6: memref<128x112xf32, #tpu.memory_space<vmem>>, %arg7: memref<!tpu.dma_semaphore, #tpu.memory_space<semaphore_mem>>) attributes {dimension_semantics = [#tpu.dimension_semantics<core_parallel>, #tpu.dimension_semantics<subcore_parallel>], iteration_bounds = array<i64: 2, 16>, scalar_prefetch = 0 : i64, scratch_operands = 3 : i64, tpu.core_type = #tpu.core_type<sc_vector_subcore>, window_params = [{transform_indices = #map}, {transform_indices = #map1}, {transform_indices = #map}]} {
    %mul3A = arith.constant 2 : i32
    %mul3A_0 = arith.muli %arg1, %mul3A : i32
    %add3A = arith.addi %mul3A_0, %arg0 : i32
    %mul3A_1 = arith.constant 5120 : i32
    %mul3A_2 = arith.muli %add3A, %mul3A_1 : i32
    %scan3A = arith.constant 0 : i32
    %scan3A_3 = arith.constant 0 : i32
    %scan3A_4 = arith.constant 40 : i32
    %scan3A_5 = arith.addi %scan3A_3, %scan3A_4 : i32
    %scan3A_6 = arith.constant 1 : i32
    scf.for %scan3A_8 = %scan3A_3 to %scan3A_5 step %scan3A_6  : i32 {
      %mul3A_9 = arith.constant 128 : i32
      %mul3A_10 = arith.muli %scan3A_8, %mul3A_9 : i32
      %add3A_11 = arith.addi %mul3A_2, %mul3A_10 : i32
      "tpu.region"() ({
        %run_scoped3A = tpu.sem_alloc : memref<!tpu.dma_semaphore, #tpu.memory_space<semaphore_mem>>
        %dma_start3A_16 = tpu.memref_slice %arg3[%add3A_11] : memref<163840xi32, #tpu.memory_space<hbm>> -> memref<128xi32, #tpu.memory_space<hbm>>
        %dma_start3A_17 = tpu.memref_slice %arg3[%add3A_11] : memref<163840xi32, #tpu.memory_space<hbm>> -> memref<128xi32, #tpu.memory_space<hbm>>
        tpu.enqueue_dma source(%dma_start3A_17 : memref<128xi32, #tpu.memory_space<hbm>>) target(%arg5 : memref<128xi32, #tpu.memory_space<vmem>>) target_semaphore(%run_scoped3A : memref<!tpu.dma_semaphore, #tpu.memory_space<semaphore_mem>>)
        %dma_wait3A_18 = tpu.memref_slice %arg3[%add3A_11] : memref<163840xi32, #tpu.memory_space<hbm>> -> memref<128xi32, #tpu.memory_space<hbm>>
        %dma_wait3A_19 = tpu.memref_slice %arg3[%add3A_11] : memref<163840xi32, #tpu.memory_space<hbm>> -> memref<128xi32, #tpu.memory_space<hbm>>
        tpu.wait_dma2 semaphore(%run_scoped3A : memref<!tpu.dma_semaphore, #tpu.memory_space<semaphore_mem>>) src(%dma_wait3A_19 : memref<128xi32, #tpu.memory_space<hbm>>) dst(%arg5 : memref<128xi32, #tpu.memory_space<vmem>>)
        tpu.yield
      }) : () -> ()
      %dma_start3A = arith.constant 0 : i32
      %dma_start3A_12 = arith.constant 0 : i32
      %dma_start3A_13 = tpu.memref_slice %arg2[%dma_start3A, %dma_start3A_12] : memref<10000x112xf32, #tpu.memory_space<hbm>> -> memref<10000x112xf32, #tpu.memory_space<hbm>>
      tpu.enqueue_indirect_dma source(%dma_start3A_13 : memref<10000x112xf32, #tpu.memory_space<hbm>>) target(%arg6 : memref<128x112xf32, #tpu.memory_space<vmem>>) offsets(%arg5 : memref<128xi32, #tpu.memory_space<vmem>>) semaphore(%arg7 : memref<!tpu.dma_semaphore, #tpu.memory_space<semaphore_mem>>)
      %dma_wait3A = arith.constant 0 : i32
      %dma_wait3A_14 = arith.constant 0 : i32
      %dma_wait3A_15 = tpu.memref_slice %arg2[%dma_wait3A, %dma_wait3A_14] : memref<10000x112xf32, #tpu.memory_space<hbm>> -> memref<10000x112xf32, #tpu.memory_space<hbm>>
      tpu.wait_indirect_dma semaphore(%arg7 : memref<!tpu.dma_semaphore, #tpu.memory_space<semaphore_mem>>) src(%dma_wait3A_15 : memref<10000x112xf32, #tpu.memory_space<hbm>>) dst(%arg6 : memref<128x112xf32, #tpu.memory_space<vmem>>)
      "tpu.region"() ({
        %run_scoped3A = tpu.sem_alloc : memref<!tpu.dma_semaphore, #tpu.memory_space<semaphore_mem>>
        %dma_start3A_16 = arith.constant 0 : i32
        %dma_start3A_17 = tpu.memref_slice %arg4[%add3A_11, %dma_start3A_16] : memref<163840x112xf32, #tpu.memory_space<hbm>> -> memref<128x112xf32, #tpu.memory_space<hbm>>
        %dma_start3A_18 = arith.constant 0 : i32
        %dma_start3A_19 = tpu.memref_slice %arg4[%add3A_11, %dma_start3A_18] : memref<163840x112xf32, #tpu.memory_space<hbm>> -> memref<128x112xf32, #tpu.memory_space<hbm>>
        tpu.enqueue_dma source(%arg6 : memref<128x112xf32, #tpu.memory_space<vmem>>) target(%dma_start3A_19 : memref<128x112xf32, #tpu.memory_space<hbm>>) target_semaphore(%run_scoped3A : memref<!tpu.dma_semaphore, #tpu.memory_space<semaphore_mem>>)
        %dma_wait3A_20 = arith.constant 0 : i32
        %dma_wait3A_21 = tpu.memref_slice %arg4[%add3A_11, %dma_wait3A_20] : memref<163840x112xf32, #tpu.memory_space<hbm>> -> memref<128x112xf32, #tpu.memory_space<hbm>>
        %dma_wait3A_22 = arith.constant 0 : i32
        %dma_wait3A_23 = tpu.memref_slice %arg4[%add3A_11, %dma_wait3A_22] : memref<163840x112xf32, #tpu.memory_space<hbm>> -> memref<128x112xf32, #tpu.memory_space<hbm>>
        tpu.wait_dma2 semaphore(%run_scoped3A : memref<!tpu.dma_semaphore, #tpu.memory_space<semaphore_mem>>) src(%arg6 : memref<128x112xf32, #tpu.memory_space<vmem>>) dst(%dma_wait3A_23 : memref<128x112xf32, #tpu.memory_space<hbm>>)
        tpu.yield
      }) : () -> ()
    }
    %scan3A_7 = arith.constant 40 : i32
    return
  }
}

</mosaic_0001>

<sc_bundles>
// kernel: _sc_gather.3.cloned.1.call-start
scs
__scs_entry_jumppad:
0x0: {  	(pc) =	sbr.rel $0x88, $3  }
0x1: {  	(tag) =	ssettag $0x0;
	lr =	simm.s32 $0x1  }
0x2: {  	[smem:$0x3F9F] =	sst lr;
	_ =	strace $0xD0000000  }
0x3: {  	_ = 	snop  }
0x4: {  	_ = 	snop  }
0x5: {  	_ = 	snop  }
0x6: {  	_ = 	snop  }
0x7: {  	_ = 	snop  }
__scs_overlays_trampoline_lowered:
0x8: {  	[smem:$0x3FAE] =	sst s0  }
0x9: {  	[smem:$0x3FAF] =	sst s1  }
0xa: {  	[smem:$0x3FB0] =	sst s2  }
0xb: {  	[smem:$0x3FB1] =	sst s3  }
0xc: {  	[smem:$0x3FB2] =	sst s4  }
0xd: {  	[smem:$0x3FB3] =	sst s5  }
0xe: {  	[smem:$0x3FB4] =	sst s6  }
0xf: {  	[smem:$0x3FB5] =	sst s7  }
0x10: {  	[smem:$0x3FB6] =	sst s8  }
0x11: {  	[smem:$0x3FB7] =	sst s9;
	s0 =	simm.s32 @!p0 $0x0  }
0x12: {  	s1 =	sld [smem:$0x3F9D];
	s0 =	simm.s32 @p0 $0x1  }
0x13: {  	[smem:$0x3FB8] =	sst s0;
	s0 =	simm.s32 @!p1 $0x0  }
0x14: {  	s2 =	sld [smem:$0x3F9C];
	s0 =	simm.s32 @p1 $0x1  }
0x15: {  	[smem:$0x3FB9] =	sst s0;
	s0 =	simm.s32 @!p2 $0x0  }
0x16: {  	s3 =	sld [smem:$0x3FDB];
	s0 =	simm.s32 @p2 $0x1  }
0x17: {  	s4 =	simm.s32 $0x1BF5;
	[smem:$0x3FBB] =	sst s0  }
0x18: {  	s0 =	sld [smem:$0x3F9E];
	_ =	swait.ge [sflag:s4], $0x0  }
0x19: {  	s7 =	sld [smem:$0x3F9F]  }
0x1a: {  	s8 =	sadd.s32 $0xFFFFE003, lr  }
0x1b: {  	s9 =	sadd.s32 $0xFFFFFEF7, lr;
	s5 =	simm.s32 $0xFFFFFFFF;
	p2 =	slt.u32 s8, $0xFFFFF086  }
0x1c: {  	p1 =	slt.u32 s9, $0xF7A;
	s5 =	simm.s32 @!p2 $0x0  }
0x1d: {  	s5 =	simm.s32 @p1 $0x1;
	p0 =	seq.s32 s7, s2  }
0x1e: {  	s7 =	smul.u32 @!p0 $0xF7A, s2;
	p2 =	seq.s32 @!p0 s5, $0x0  }
0x1f: {  	s9 =	smul.u32 $0xF7A, s1;
	s8 =	simm.s32 @!p0 $0x1BF5;
	p2 =	por !p2, p0  }
0x20: {  	[sflag:s8] =	ssyncset.s32 @!p0 $0xFFFFF086;
	s6 =	sadd.s32 @!p0 s3, s7;
	s7 =	simm.s32 @!p0 $0x108  }
0x21: {  	s3 =	sadd.s32 s3, s9;
	s6 =	sadd.s32 @!p0 $0x88, s6;
	s7 =	simm.s32 @p2 $0x1082  }
0x22: {  	[simem:s7], [sflag:s8] =	dma.local @!p0 [hbm:s6], $0xF7A  }
0x23: {  	s9 =	sor.u32 $0xD0000000, s2;
	s6 =	simm.s32 $0x108;
	_ =	swait.ge @!p0 [sflag:s8], $0x0  }
0x24: {  	s3 =	sadd.s32 $0x88, s3;
	s6 =	simm.s32 @!p1 $0x1082;
	[sflag:s4] =	ssyncset.s32 $0xFFFFF086  }
0x25: {  	[simem:s6], [sflag:s4] =	dma.local [hbm:s3], $0xF7A  }
0x26: {  	[smem:$0x3F9F] =	sst s1;
	(tag) =	ssettag s2;
	_ =	strace s9  }
0x27: {  	s1 =	sld [smem:$0x3FAF]  }
0x28: {  	s2 =	sld [smem:$0x3FB0]  }
0x29: {  	s4 =	sld [smem:$0x3FB2]  }
0x2a: {  	p0 =	seq.s32 s5, $0x0;
	s5 =	sld [smem:$0x3FB3]  }
0x2b: {  	s6 =	sld [smem:$0x3FB4]  }
0x2c: {  	s7 =	sld [smem:$0x3FB5]  }
0x2d: {  	s3 =	simm.s32 $0x108;
	s8 =	sld [smem:$0x3FB6]  }
0x2e: {  	s3 =	simm.s32 @!p0 $0x1082;
	s9 =	sld [smem:$0x3FB7]  }
0x2f: {  	lr =	sadd.s32 s0, s3;
	s0 =	sld [smem:$0x3FAE]  }
0x30: {  	s3 =	sld [smem:$0x3FB1]  }
0x31: {  	[smem:$0x3FBA] =	sst s10  }
0x32: {  	s10 =	sld [smem:$0x3FB8];
	_ =	sdelay $0x3  }
0x33: {  	p0 =	seq.s32 s10, $0x1;
	s10 =	sld [smem:$0x3FBA];
	_ =	sdelay $0x3  }
0x34: {  	[smem:$0x3FBA] =	sst s10  }
0x35: {  	s10 =	sld [smem:$0x3FB9];
	_ =	sdelay $0x3  }
0x36: {  	p1 =	seq.s32 s10, $0x1;
	s10 =	sld [smem:$0x3FBA];
	_ =	sdelay $0x3  }
0x37: {  	[smem:$0x3FBA] =	sst s10  }
0x38: {  	s10 =	sld [smem:$0x3FBB]  }
0x39: {  	_ = 	snop;
	(pc) =	sbr.ind lr, $3  }
0x3a: {  	_ = 	snop  }
0x3b: {  	_ = 	snop  }
0x3c: {  	p2 =	seq.s32 s10, $0x1;
	s10 =	sld [smem:$0x3FBA]  }
0x3d: {  	_ =	shalt  }
0x3e: {  	_ =	shalt  }
0x3f: {  	_ =	shalt  }
0x40: {  	_ =	shalt  }
0x41: {  	_ =	shalt  }
0x42: {  	_ =	shalt  }
0x43: {  	_ =	shalt  }
0x44: {  	_ =	shalt  }
0x45: {  	_ =	shalt  }
0x46: {  	_ =	shalt  }
0x47: {  	_ =	shalt  }
0x48: {  	_ =	shalt  }
0x49: {  	_ =	shalt  }
0x4a: {  	_ =	shalt  }
0x4b: {  	_ =	shalt  }
0x4c: {  	_ =	shalt  }
0x4d: {  	_ =	shalt  }
0x4e: {  	_ =	shalt  }
0x4f: {  	_ =	shalt  }
0x50: {  	_ =	shalt  }
0x51: {  	_ =	shalt  }
0x52: {  	_ =	shalt  }
0x53: {  	_ =	shalt  }
0x54: {  	_ =	shalt  }
0x55: {  	_ =	shalt  }
0x56: {  	_ =	shalt  }
0x57: {  	_ =	shalt  }
0x58: {  	_ =	shalt  }
0x59: {  	_ =	shalt  }
0x5a: {  	_ =	shalt  }
0x5b: {  	_ =	shalt  }
0x5c: {  	_ =	shalt  }
0x5d: {  	_ =	shalt  }
0x5e: {  	_ =	shalt  }
0x5f: {  	_ =	shalt  }
0x60: {  	_ =	shalt  }
0x61: {  	_ =	shalt  }
0x62: {  	_ =	shalt  }
0x63: {  	_ =	shalt  }
0x64: {  	_ =	shalt  }
0x65: {  	_ =	shalt  }
0x66: {  	_ =	shalt  }
0x67: {  	_ =	shalt  }
0x68: {  	_ =	shalt  }
0x69: {  	_ =	shalt  }
0x6a: {  	_ =	shalt  }
0x6b: {  	_ =	shalt  }
0x6c: {  	_ =	shalt  }
0x6d: {  	_ =	shalt  }
0x6e: {  	_ =	shalt  }
0x6f: {  	_ =	shalt  }
0x70: {  	_ =	shalt  }
0x71: {  	_ =	shalt  }
0x72: {  	_ =	shalt  }
0x73: {  	_ =	shalt  }
0x74: {  	_ =	shalt  }
0x75: {  	_ =	shalt  }
0x76: {  	_ =	shalt  }
0x77: {  	_ =	shalt  }
0x78: {  	_ =	shalt  }
0x79: {  	_ =	shalt  }
0x7a: {  	_ =	shalt  }
0x7b: {  	_ =	shalt  }
0x7c: {  	_ =	shalt  }
0x7d: {  	_ =	shalt  }
0x7e: {  	_ =	shalt  }
0x7f: {  	_ =	shalt  }
0x80: {  	_ =	shalt  }
0x81: {  	_ =	shalt  }
0x82: {  	_ =	shalt  }
0x83: {  	_ =	shalt  }
0x84: {  	_ =	shalt  }
0x85: {  	_ =	shalt  }
0x86: {  	_ =	shalt  }
0x87: {  	_ =	shalt  }
.Lfunc_end0:
.L_simem_size_0:
called_computation.1_lowered:
.L_overlay_start_0:
0x88: {  	s2 =	sld [smem:$0x3FD9]  }
0x89: {  	s3 =	sld [smem:$0x3FFE];
	_ =	sdelay $0x1  }
0x8a: {  	s1 =	srdreg.scid  }
0x8b: {  	s0 =	sand.u32 $0x1, s1  }
0x8c: {  	s17 =	sshll.u32 s0, $0xA;
	s2 =	sadd.s32 s3, s2  }
0x8d: {  	s2 =	sadd.s32 s2, s17  }
0x8e: {  	[smem:$0x3FC6] =	sst s2  }
0x8f: {  	_ = 	snop  }
0x90: {  	s2 =	sld [smem:$0x3FC8]  }
0x91: {  	s18 =	sld [smem:$0x3FD0];
	(tm) =	ssettm $0x1  }
0x92: {  	s4 =	sld [smem:$0x3FFB];
	_ =	sdelay $0x3  }
0x93: {  	_ =	strace s4  }
0x94: {  	s4 =	sld [smem:$0x3FFC];
	_ =	sdelay $0x3  }
0x95: {  	_ =	strace s4  }
0x96: {  	s4 =	sld [smem:$0x3FFD];
	_ =	sdelay $0x3  }
0x97: {  	_ =	strace s4  }
0x98: {  	_ =	strace $0x8FFFFFFF  }
0x99: {  	s19 =	sld [smem:$0x3FDB];
	_ =	sdelay $0x1  }
0x9a: {  	s5 =	simm.s32 $_scs_section_size  }
0x9b: {  	s6 =	simm.s32 $_size__tile_overlayer_lowered;
	s7 =	simm.s32 $_tile_overlayer_lowered  }
0x9c: {  	s22 =	simm.s32 $0x1BFF;
	s21 =	sshll.u32 s7, $0x1;
	s4 =	sadd.s32 s5, s19  }
0x9d: {  	s8 =	simm.s32 $0x0;
	s20 =	sshll.u32 s6, $0x1;
	s6 =	sadd.s32 s21, s4  }
0x9e: {  	[timem:s8], [sflag:s22] =	dma.local [hbm:s6], s20  }
0x9f: {  	_ =	swait.ge [sflag:s22], s20  }
0xa0: {  	s5 =	ssub.s32 $0x0, s20;
	[sflag:s22] =	ssyncset.done $0x0  }
0xa1: {  	[sflag:s22] =	ssyncadd.s32 s5;
	_ =	sdelay $0x1  }
0xa2: {  	s23 =	simm.s32 $0x1B8B  }
0xa3: {  	_ =	swait.ge [sflag:s23], $0x1  }
0xa4: {  	[sflag:s23] =	ssyncset.done $0x0  }
0xa5: {  	s25 =	simm.s32 $0x1B8E;
	s24 =	sld [smem:$0x3FFE];
	[sflag:s23] =	ssyncadd.s32 $0xFFFFFFFF  }
0xa6: {  	s26 =	simm.s32 $execute0_lowered;
	[smem:$0x3FD2] =	sst s25  }
0xa7: {  	s6 =	sshll.u32 s26, $0x1;
	_ =	strace $0x80000046;
	[dreg:$0x1] =	wrdreg $0xFFFFFFFF  }
0xa8: {  	s28 =	simm.s32 $_size_execute0_lowered;
	s4 =	sadd.s32 s4, s6;
	[dreg:$0x0] =	wrdreg $0x0  }
0xa9: {  	s6 =	sshll.u32 s28, $0x1;
	[dreg:$0x2] =	wrdreg s4  }
0xaa: {  	[dreg:$0x3] =	wrdreg s6  }
0xab: {  	[dreg:$0x4] =	wrdreg $0xC0  }
0xac: {  	_ =	task [dreg:s8], $0x5FFFF  }
0xad: {  	[dreg:$0x1] =	wrdreg $0xFFFFFFFF  }
0xae: {  	[dreg:$0x0] =	wrdreg $0x60  }
0xaf: {  	[dreg:$0x2] =	wrdreg s24  }
0xb0: {  	[dreg:$0x3] =	wrdreg s2  }
0xb1: {  	[dreg:$0x4] =	wrdreg s18  }
0xb2: {  	[dreg:$0x5] =	wrdreg $0x9  }
0xb3: {  	_ =	task.clear_ibuf [dreg:s8], $0x6FFFF;
	_ =	strace $0x90000046  }
0xb4: {  	s29 =	simm.s32 $0x9;
	_ =	strace $0x80000048  }
0xb5: {  	_ =	swait.ge [sflag:s29], $0x1  }
0xb6: {  	[sflag:s29] =	ssyncadd.s32 $0xFFFFFFFF  }
0xb7: {  	_ =	strace $0x90000048  }
0xb8: {  	_ =	sfence  }
0xb9: {  	s30 =	sld [smem:$0x0];
	_ =	sdelay $0x2  }
0xba: {  	s31 =	sshll.u32 s1, $0xD;
	s1 =	sshrl.u32 s1, $0x2  }
0xbb: {  	s3 =	sand.u32 $0x4000, s31;
	s1 =	sadd.s32 s1, s30  }
0xbc: {  	s0 =	sor.u32 s3, s0;
	s1 =	sshll.u32 s1, $0x11  }
0xbd: {  	s0 =	sor.u32 s1, s0  }
0xbe: {  	s0 =	sadd.s32 $0x8F2B, s0  }
0xbf: {  	[sflag:s0] =	ssyncadd.remote.s32 $0x1  }
0xc0: {  	_ =	sfence.sel $0xFFFF  }
0xc1: {  	[dreg:$0x0] =	wrdreg $0xFFFFFFFF;
	(pc) =	sbr.abs _section_cstart, $3  }
0xc2: {  	[dreg:$0x1] =	wrdreg $0xFFFFFFFF  }
0xc3: {  	_ =	task.clear_ibuf [dreg:s8], $0x2FFFF;
	_ =	strace $0x9FFFFFFF  }
0xc4: {  	(tm) =	ssettm $0x7FFFFFFF  }
0xc5: {  	_ =	shalt  }
tec
execute0_lowered:
.L_overlay_start_1:
0x0: {  	(tag) =	ssettag $0x1  }
0x1: {  	s3 =	rddreg [dreg:$0x0]  }
0x2: {  	s6 =	rddreg [dreg:$0x1]  }
0x3: {  	s5 =	rddreg [dreg:$0x2]  }
0x4: {  	s2 =	srdreg.scid;
	s1 =	stileid.u32  }
0x5: {  	s0 =	rddreg [dreg:$0x3];
	s8 =	smul.u32 $0x2800, s1  }
0x6: {  	s4 =	sand.u32 $0x1, s2;
	s2 =	simm.s32 $0x0;
	s30 =	smul.u32 $0x23000, s1  }
0x7: {  	s3 =	sadd.s32 $0x800, s3;
	s7 =	ssub.s32 $0x2, s4;
	s10 =	smul.u32 $0x1400, s4  }
0x8: {  	[smem:$0x7FF] =	sst s2;
	s11 =	smul.u32 $0x11800, s4;
	s9 =	sshrl.u32 s7, $0x1  }
0x9: {  	_ =	strace $0x80000047;
	s5 =	sadd.s32 s30, s5;
	s7 =	ssub.s32 s7, s9  }
0xa: {  	s8 =	sadd.s32 s10, s8;
	s5 =	sadd.s32 s11, s5;
	s9 =	simm.s32 $0x1  }
0xb: {  	s10 =	simm.s32 $0x0;
	s4 =	smax.u32 s7, $0x1;
	s31 =	sshrl.u32 s8, $0x3  }
0xc: {  	s7 =	simm.s32 $0x2;
	s8 =	simm.s32 $0x80;
	s6 =	sadd.s32 s31, s6  }
.LBB2_1:
0xd: {  	s11 =	sadd.s32 $0x0, s6  }
0xe: {  	[tilespmem:s2], [sflag:$0x2] =	stream.linear.gather [hbm4b:s11+s2], $0x80, $0x38;
	[tilespmem:$0x3880] =	vst v63  }
0xf: {  	_ =	swait.ge [sflag:s7], $0x80  }
0x10: {  	[sflag:s7] =	ssyncset.done $0x0  }
0x11: {  	[sflag:s7] =	ssyncadd.s32 $0xFFFFFF80  }
0x12: {  	[tilespmem:s8], [sflag:$0x1] =	stream.indirect.gather [hbm4b:s3+s8], $0x70, s2, s8, $0xb8;
	[tilespmem:$0x3880] =	vst v63  }
0x13: {  	_ =	swait.ge [sflag:s9], $0x3800  }
0x14: {  	[sflag:s9] =	ssyncset.done $0x0  }
0x15: {  	[sflag:s9] =	ssyncadd.s32 $0xFFFFC800  }
0x16: {  	[hbm4b:s5+s2] =	stream.linear.scatter [tilespmem:s8], [sflag:$0x2], $0x3800, $0x38;
	[tilespmem:$0x3880] =	vst v63  }
0x17: {  	s12 =	simm.s32 $0x10;
	_ =	swait.ge [sflag:s7], $0x3800  }
0x18: {  	s13 =	simm.s32 $0x20;
	s11 =	sadd.s32 $0x700, s5;
	[sflag:s7] =	ssyncset.done $0x0  }
.LBB2_2:
0x19: {  	s14 =	sadd.s32 s12, s6  }
0x1a: {  	[sflag:s7] =	ssyncadd.s32 $0xFFFFC800;
	s12 =	smov.u32 s13;
	s15 =	sadd.s32 $0x10, s13  }
0x1b: {  	[tilespmem:s2], [sflag:$0x2] =	stream.linear.gather [hbm4b:s14+s2], $0x80, $0x38;
	[tilespmem:$0x3880] =	vst v63  }
0x1c: {  	p0 =	sne.s32 s13, $0x270;
	_ =	swait.ge [sflag:s7], $0x80  }
0x1d: {  	[sflag:s7] =	ssyncset.done $0x0  }
0x1e: {  	[sflag:s7] =	ssyncadd.s32 $0xFFFFFF80  }
0x1f: {  	[tilespmem:s8], [sflag:$0x1] =	stream.indirect.gather [hbm4b:s3+s8], $0x70, s2, s8, $0xb8;
	[tilespmem:$0x3880] =	vst v63  }
0x20: {  	_ =	swait.ge [sflag:s9], $0x3800  }
.Ltmp0:
0x21: {  	[sflag:s9] =	ssyncset.done $0x0;
	(pc) =	sbr.rel @p0 .LBB2_2-.Ltmp0, $4  }
0x22: {  	[sflag:s9] =	ssyncadd.s32 $0xFFFFC800  }
0x23: {  	[hbm4b:s11+s2] =	stream.linear.scatter [tilespmem:s8], [sflag:$0x2], $0x3800, $0x38;
	[tilespmem:$0x3880] =	vst v63  }
0x24: {  	_ =	swait.ge [sflag:s7], $0x3800  }
0x25: {  	s13 =	smov.u32 s15;
	s11 =	sadd.s32 $0x700, s11;
	[sflag:s7] =	ssyncset.done $0x0  }
0x26: {  	s12 =	sadd.s32 s12, s6;
	[sflag:s7] =	ssyncadd.s32 $0xFFFFC800  }
0x27: {  	[tilespmem:s2], [sflag:$0x2] =	stream.linear.gather [hbm4b:s12+s2], $0x80, $0x38;
	[tilespmem:$0x3880] =	vst v63  }
0x28: {  	_ =	swait.ge [sflag:s7], $0x80  }
0x29: {  	[sflag:s7] =	ssyncset.done $0x0  }
0x2a: {  	[sflag:s7] =	ssyncadd.s32 $0xFFFFFF80  }
0x2b: {  	[tilespmem:s8], [sflag:$0x1] =	stream.indirect.gather [hbm4b:s3+s8], $0x70, s2, s8, $0xb8;
	[tilespmem:$0x3880] =	vst v63  }
0x2c: {  	s10 =	sadd.s32 $0x1, s10;
	_ =	swait.ge [sflag:s9], $0x3800  }
0x2d: {  	p0 =	sne.s32 s10, s4;
	[sflag:s9] =	ssyncset.done $0x0  }
.Ltmp1:
0x2e: {  	[sflag:s9] =	ssyncadd.s32 $0xFFFFC800;
	(pc) =	sbr.rel @p0 .LBB2_1-.Ltmp1, $4  }
0x2f: {  	[hbm4b:s11+s2] =	stream.linear.scatter [tilespmem:s8], [sflag:$0x2], $0x3800, $0x38;
	[tilespmem:$0x3880] =	vst v63  }
0x30: {  	_ =	swait.ge [sflag:s7], $0x3800  }
0x31: {  	[sflag:s7] =	ssyncset.done $0x0  }
0x32: {  	[sflag:s7] =	ssyncadd.s32 $0xFFFFC800  }
0x33: {  	_ =	sfence.sel $0x180000  }
0x34: {  	[bflag:$0x0] =	sbarrier.arrive $0xFFFF  }
0x35: {  	p0 =	sne.s32 s1, $0x0;
	_ =	strace $0x90000047  }
0x36: {  	s0 =	sadd.s32 @!p0 $0x100000, s0;
	[bflag:$0x2] =	sbarrier.arrive $0xFFFF  }
0x37: {  	[sflag:s0] =	ssyncadd.tile.s32 @!p0 $0x1;
	_ =	shalt  }
.Lfunc_end2:
_tile_overlayer_lowered:
.L_overlay_start_2:
0x38: {  	(tag) =	ssettag $0x2  }
0x39: {  	s0 =	rddreg [dreg:$0x0];
	s2 =	stileid.u32  }
0x3a: {  	s1 =	rddreg [dreg:$0x1];
	p0 =	sne.s32 s2, $0x0  }
0x3b: {  	s3 =	rddreg [dreg:$0x2];
	[bflag:$0x3] =	sbarrier.arrive $0xFFFF;
	s2 =	simm.s32 @!p0 $0x1C02  }
0x3c: {  	[timem:s3], [sflag:s2] =	dma.local @!p0 [hbm:s0], s1  }
0x3d: {  	s0 =	simm.s32 @!p0 $0x2  }
0x3e: {  	_ =	swait.ge @!p0 [sflag:s0], s1  }
0x3f: {  	s1 =	ssub.s32 @!p0 $0x0, s1;
	[sflag:s0] =	ssyncset.done @!p0 $0x0  }
0x40: {  	[sflag:s0] =	ssyncadd.s32 @!p0 s1  }
0x41: {  	[bflag:$0x3] =	sbarrier.arrive $0xFFFF  }
0x42: {  	_ =	shalt  }

// kernel: sparse-core-data-format-call.cloned.1.call-start
scs
called_computation_lowered:
.L_overlay_start_0:
0x0: {  	s2 =	sld [smem:$0x3FD9]  }
0x1: {  	s3 =	sld [smem:$0x3FFE];
	_ =	sdelay $0x1  }
0x2: {  	s1 =	srdreg.scid  }
0x3: {  	s0 =	sand.u32 $0x1, s1  }
0x4: {  	s18 =	sshll.u32 s0, $0xA;
	s2 =	sadd.s32 s3, s2  }
0x5: {  	s2 =	sadd.s32 s2, s18  }
0x6: {  	[smem:$0x3FC6] =	sst s2  }
0x7: {  	_ = 	snop  }
0x8: {  	s2 =	sld [smem:$0x3FD0];
	(tm) =	ssettm $0x1  }
0x9: {  	s19 =	sld [smem:$0x3FFB];
	_ =	sdelay $0x3  }
0xa: {  	_ =	strace s19  }
0xb: {  	s3 =	sld [smem:$0x3FFC];
	_ =	sdelay $0x3  }
0xc: {  	_ =	strace s3  }
0xd: {  	s3 =	sld [smem:$0x3FFD];
	_ =	sdelay $0x3  }
0xe: {  	_ =	strace s3  }
0xf: {  	_ =	strace $0x8FFFFFFF  }
0x10: {  	s20 =	sld [smem:$0x3FDB];
	_ =	sdelay $0x1  }
0x11: {  	s4 =	simm.s32 $_scs_section_size  }
0x12: {  	s5 =	simm.s32 $_size__tile_overlayer_lowered;
	s6 =	simm.s32 $_tile_overlayer_lowered  }
0x13: {  	s23 =	simm.s32 $0x1BFF;
	s22 =	sshll.u32 s6, $0x1;
	s3 =	sadd.s32 s4, s20  }
0x14: {  	s7 =	simm.s32 $0x0;
	s21 =	sshll.u32 s5, $0x1;
	s5 =	sadd.s32 s22, s3  }
0x15: {  	[timem:s7], [sflag:s23] =	dma.local [hbm:s5], s21  }
0x16: {  	_ =	swait.ge [sflag:s23], s21  }
0x17: {  	s4 =	ssub.s32 $0x0, s21;
	[sflag:s23] =	ssyncset.done $0x0  }
0x18: {  	[sflag:s23] =	ssyncadd.s32 s4;
	_ =	sdelay $0x1  }
0x19: {  	s24 =	simm.s32 $0x1B8B  }
0x1a: {  	_ =	swait.ge [sflag:s24], $0x1  }
0x1b: {  	[sflag:s24] =	ssyncset.done $0x0  }
0x1c: {  	s26 =	simm.s32 $0x1B8E;
	s25 =	sld [smem:$0x3FFE];
	[sflag:s24] =	ssyncadd.s32 $0xFFFFFFFF  }
0x1d: {  	s27 =	simm.s32 $execute0_lowered;
	[smem:$0x3FD2] =	sst s26  }
0x1e: {  	s5 =	sshll.u32 s27, $0x1;
	_ =	strace $0x80000049;
	[dreg:$0x1] =	wrdreg $0xFFFFFFFF  }
0x1f: {  	s28 =	simm.s32 $_size_execute0_lowered;
	s3 =	sadd.s32 s3, s5;
	[dreg:$0x0] =	wrdreg $0x0  }
0x20: {  	s5 =	sshll.u32 s28, $0x1;
	[dreg:$0x2] =	wrdreg s3  }
0x21: {  	[dreg:$0x3] =	wrdreg s5  }
0x22: {  	[dreg:$0x4] =	wrdreg $0xC0  }
0x23: {  	_ =	task [dreg:s7], $0x5FFFF  }
0x24: {  	[dreg:$0x1] =	wrdreg $0xFFFFFFFF  }
0x25: {  	[dreg:$0x0] =	wrdreg $0x60  }
0x26: {  	[dreg:$0x2] =	wrdreg s25  }
0x27: {  	[dreg:$0x3] =	wrdreg s2  }
0x28: {  	[dreg:$0x4] =	wrdreg $0x9  }
0x29: {  	_ =	task.clear_ibuf [dreg:s7], $0x5FFFF;
	_ =	strace $0x90000049  }
0x2a: {  	s29 =	simm.s32 $0x9;
	_ =	strace $0x8000004B  }
0x2b: {  	_ =	swait.ge [sflag:s29], $0x1  }
0x2c: {  	[sflag:s29] =	ssyncadd.s32 $0xFFFFFFFF  }
0x2d: {  	_ =	strace $0x9000004B  }
0x2e: {  	_ =	sfence  }
0x2f: {  	s30 =	sld [smem:$0x0];
	_ =	sdelay $0x2  }
0x30: {  	s31 =	sshll.u32 s1, $0xD;
	s1 =	sshrl.u32 s1, $0x2  }
0x31: {  	s3 =	sand.u32 $0x4000, s31;
	s1 =	sadd.s32 s1, s30  }
0x32: {  	s0 =	sor.u32 s3, s0;
	s1 =	sshll.u32 s1, $0x11  }
0x33: {  	s0 =	sor.u32 s1, s0  }
0x34: {  	s0 =	sadd.s32 $0x8F2B, s0  }
0x35: {  	[sflag:s0] =	ssyncadd.remote.s32 $0x1  }
0x36: {  	_ =	sfence.sel $0xFFFF  }
0x37: {  	[dreg:$0x0] =	wrdreg $0xFFFFFFFF;
	(pc) =	sbr.abs _section_cstart, $3  }
0x38: {  	[dreg:$0x1] =	wrdreg $0xFFFFFFFF  }
0x39: {  	_ =	task.clear_ibuf [dreg:s7], $0x2FFFF;
	_ =	strace $0x9FFFFFFF  }
0x3a: {  	(tm) =	ssettm $0x7FFFFFFF  }
0x3b: {  	_ =	shalt  }
tec
execute0_lowered:
.L_overlay_start_1:
0x0: {  	(tag) =	ssettag $0x1  }
0x1: {  	s0 =	srdreg.scid  }
0x2: {  	s5 =	rddreg [dreg:$0x0];
	s1 =	sshll.u32 s0, $0x4  }
0x3: {  	s2 =	rddreg [dreg:$0x1];
	s0 =	stileid.u32;
	s1 =	sand.u32 $0x10, s1  }
0x4: {  	s4 =	simm.s32 $0x1;
	s8 =	simm.s32 $0x2;
	s1 =	sor.u32 s0, s1  }
0x5: {  	s12 =	simm.s32 $0x0;
	s9 =	simm.s32 $0x0;
	s3 =	sshll.u32 s1, $0x7  }
0x6: {  	s11 =	simm.s32 $0x0;
	s5 =	sadd.s32 $0x800, s5;
	s6 =	ssub.s32 $0x28000, s3  }
.Ltmp0:
0x7: {  	s1 =	rddreg [dreg:$0x2];
	s7 =	sand.u32 $0xF80, s6;
	(pc) =	sbr.rel .LBB1_1-.Ltmp0, $4  }
0x8: {  	_ =	strace $0x8000004A;
	p0 =	sne.s32 s7, $0x0;
	s7 =	simm.s32 $0x1  }
0x9: {  	[sflag:s4] =	ssyncpa.u1 $0x0;
	s6 =	sshrl.u32 s6, $0xC;
	s7 =	simm.s32 @!p0 $0x0  }
0xa: {  	s10 =	smov.u32 s3;
	[sflag:s8] =	ssyncpa.u1 $0x0;
	s6 =	sadd.s32 s7, s6  }
0xb: {  	s8 =	simm.s32 $0x140000;
	p0 =	por $0x0, $0x0;
	s7 =	sadd.s32 $0x1, s6  }
.LBB1_4:
0xc: {  	s18 =	sshll.u32 s9, $0x3  }
0xd: {  	s19 =	sand.u32 $0x7F, s9;
	s20 =	sand.u32 $0xFFFFFC00, s18;
	s18 =	smulhi.u32 $0xCCCCCCCD, s18  }
0xe: {  	v5 =	vld [tilespmem:s14+$0xFFFFFFD0];
	[tilespmem:s16+$0x2040 ss:$0x81] =	vst.msk $0xffff, v3;
	s19 =	sor.u32 s19, s20  }
0xf: {  	v58 =	vld [tilespmem:s14+$0xFFFFFFE0];
	[tilespmem:s16+$0x2850 ss:$0x81] =	vst.msk $0xffff, v4;
	s20 =	smulhi.u32 $0xCCCCCCCD, s19;
	s18 =	sshrl.u32 s18, $0x11  }
0x10: {  	s17 =	sshra.s32 s17, $0x2;
	v59 =	vld [tilespmem:s14+$0xFFFFFFF0];
	[tilespmem:s16+$0x3060 ss:$0x81] =	vst.msk $0xffff, v2;
	p1 =	sgt.s32 s9, $0x27F80;
	s21 =	smul.u32 $0x4925, s18  }
0x11: {  	v60 =	vld [tilespmem:s14+$0x0];
	[tilespmem:s16+$0x0 ss:$0x81] =	vst.msk $0xffff, v0;
	s26 =	sshra.s32 s9, $0x1F;
	s15 =	sadd.s32 s17, s15;
	s20 =	sshrl.u32 s20, $0x11  }
0x12: {  	v61 =	vld [tilespmem:s14+$0x10];
	[tilespmem:s15+$0x3870 ss:$0x81] =	vst.msk $0xffff, v1;
	s24 =	smul.u32 $0x28000, s20;
	s25 =	sshrl.u32 s21, $0x15;
	s20 =	smov.u32 s9  }
0x13: {  	v62 =	vld [tilespmem:s14+$0x20];
	[tilespmem:s15+$0x810 ss:$0x81] =	vst.msk $0xffff, v5;
	s21 =	sand.u32 s26, s9;
	s17 =	smul.u32 $0x70, s25;
	s20 =	simm.s32 @!p1 $0x27F80  }
0x14: {  	v63 =	vld [tilespmem:s14+$0xFFFFFFC0];
	[tilespmem:s15+$0x1020 ss:$0x81] =	vst.msk $0xffff, v58;
	s27 =	ssub.s32 s19, s24;
	s28 =	ssub.s32 s20, s21  }
0x15: {  	[tilespmem:s15+$0x1830 ss:$0x81] =	vst.msk $0xffff, v59;
	s17 =	ssub.s32 s18, s17;
	s29 =	sadd.s32 $0xFFFD8080, s28;
	s16 =	ssub.s32 $0x28000, s28  }
0x16: {  	[tilespmem:s15+$0x2040 ss:$0x81] =	vst.msk $0xffff, v60;
	s30 =	sshrl.u32 s27, $0x3;
	s17 =	sand.u32 $0xFFFF, s17;
	s16 =	smul.u32 $0x1C0, s16  }
0x17: {  	[tilespmem:s15+$0x2850 ss:$0x81] =	vst.msk $0xffff, v61;
	s14 =	sand.u32 $0x7, s27;
	p1 =	sgt.s32 s29, $0x7F;
	s17 =	smul.u32 $0x5000, s17  }
0x18: {  	[tilespmem:s15+$0x3060 ss:$0x81] =	vst.msk $0xffff, v62;
	s18 =	sadd.s32 s2, s30;
	s14 =	sshll.u32 s14, $0x12;
	s16 =	sshrl.u32 s16, $0x2  }
0x19: {  	[tilespmem:s15+$0x0 ss:$0x81] =	vst.msk $0xffff, v63;
	s14 =	sor.u32 $0x400, s14;
	s16 =	simm.s32 @p1 $0x0;
	s31 =	sadd.s32 s17, s18  }
0x1a: {  	[hbm4b:s31+s14] =	stream.strided.scatter [tilespmem:s13], [sflag:$0x2], s16, s8, s14, $0x20;
	[tilespmem:$0x10100] =	vst v63  }
.LBB1_5:
0x1b: {  	p1 =	slt.u32 s11, $0x2  }
0x1c: {  	p2 =	sgt.s32 @!p1 s12, $0x27F80  }
0x1d: {  	s13 =	smov.u32 s12;
	s14 =	sshra.s32 @!p1 s12, $0x1F;
	p2 =	por !p2, p1  }
0x1e: {  	s12 =	sand.u32 @!p1 s14, s12;
	s13 =	simm.s32 @p2 $0x27F80  }
0x1f: {  	s12 =	ssub.s32 @!p1 s13, s12  }
0x20: {  	s13 =	ssub.s32 @!p1 $0x28000, s12  }
0x21: {  	s12 =	sadd.s32 @!p1 $0xFFFD8080, s12;
	s13 =	smul.u32 @!p1 $0x1C0, s13  }
0x22: {  	p2 =	sgt.s32 @!p1 s12, $0x7F  }
0x23: {  	s14 =	sadd.s32 $0x1000, s10;
	p2 =	por !p2, p1;
	s12 =	sshrl.u32 @!p1 s13, $0x2  }
0x24: {  	s12 =	simm.s32 @!p2 $0x0;
	p2 =	sgt.s32 s14, $0x27FFF  }
0x25: {  	s14 =	smov.u32 @p2 s3;
	p2 =	sne.s32 s11, s7  }
.Ltmp1:
0x26: {  	_ = 	snop;
	(pc) =	sbr.rel @!p2 .LBB1_6-.Ltmp1, $4  }
0x27: {  	s13 =	simm.s32 @!p1 $0x2  }
0x28: {  	p0 =	por !p0, !p0;
	_ =	swait.ge @!p1 [sflag:s13], s12;
	s15 =	ssub.s32 @!p1 $0x0, s12  }
0x29: {  	s12 =	smov.u32 s9;
	s11 =	sadd.s32 $0x1, s11;
	[sflag:s13] =	ssyncset.done @!p1 $0x0  }
0x2a: {  	s9 =	smov.u32 s10;
	s10 =	smov.u32 s14;
	[sflag:s13] =	ssyncadd.s32 @!p1 s15  }
.LBB1_1:
0x2b: {  	p1 =	sge.u32 s11, s6  }
0x2c: {  	s13 =	sand.u32 @!p1 $0x1FFFFFF, s10  }
0x2d: {  	s14 =	smulhi.u32 @!p1 $0xCCCCCD, s13;
	_ =	sdelay $0x1  }
0x2e: {  	s14 =	sshrl.u32 @!p1 s14, $0x9  }
0x2f: {  	s14 =	smul.u32 @!p1 $0x28000, s14;
	_ =	sdelay $0x1  }
0x30: {  	s15 =	sxor.u32 @!p1 $0xFFFFFFFF, s11;
	s13 =	ssub.s32 @!p1 s13, s14  }
0x31: {  	s31 =	sadd.s32 $0xFFFFFFFF, s11;
	s14 =	sshll.u32 @!p1 s15, $0xE;
	s13 =	sshll.u32 @!p1 s13, $0x4  }
0x32: {  	s15 =	simm.s32 @!p1 $0x0;
	s14 =	sand.u32 @!p1 $0x4000, s14;
	s13 =	sadd.s32 @!p1 s5, s13  }
0x33: {  	[tilespmem:s14], [sflag:$0x1] =	stream.linear.gather @!p1 [hbm4b:s13+s15], $0x4000, $0x38;
	[tilespmem:$0x10100] =	vst v63  }
0x34: {  	p1 =	sge.u32 s31, s6  }
.Ltmp2:
0x35: {  	_ = 	snop;
	(pc) =	sbr.rel @p1 .LBB1_5-.Ltmp2, $1  }
0x36: {  	_ =	sdelay $0x3  }
0x37: {  	s13 =	simm.s32 $0x1  }
0x38: {  	_ =	swait.ge [sflag:s4], $0x4000;
	s13 =	simm.s32 @!p0 $0x0  }
0x39: {  	[sflag:s4] =	ssyncset.done $0x0;
	s14 =	sshll.u32 s13, $0xE  }
0x3a: {  	[sflag:s4] =	ssyncadd.s32 $0xFFFFC000;
	s14 =	sor.u32 $0x40, s14  }
0x3b: {  	s13 =	smul.u32 $0x10200, s13;
	v0 =	vld [tilespmem:s14+$0x30]  }
0x3c: {  	v1 =	vld [tilespmem:s14+$0xFFFFFFD0]  }
0x3d: {  	s13 =	sshrl.u32 s13, $0x2;
	v5 =	vld [tilespmem:s14+$0xFFFFFFE0]  }
0x3e: {  	v6 =	vld [tilespmem:s14+$0xFFFFFFF0];
	s15 =	sor.u32 $0x8000, s13  }
0x3f: {  	s31 =	sand.u32 $0x1, s11;
	v3 =	vld [tilespmem:s14+$0x0];
	s16 =	sadd.s32 $0x0, s15  }
0x40: {  	v4 =	vld [tilespmem:s14+$0x10];
	s13 =	smul.u32 $0x10200, s31;
	[tilespmem:s16+$0x3870 ss:$0x81] =	vst.msk $0xffff, v0  }
0x41: {  	v2 =	vld [tilespmem:s14+$0x20];
	[tilespmem:s16+$0x810 ss:$0x81] =	vst.msk $0xffff, v1  }
0x42: {  	s13 =	sshrl.u32 s13, $0x2;
	v0 =	vld [tilespmem:s14+$0xFFFFFFC0];
	[tilespmem:s16+$0x1020 ss:$0x81] =	vst.msk $0xffff, v5;
	s14 =	sadd.s32 $0x80, s14  }
0x43: {  	s17 =	simm.s32 $0x4;
	s18 =	simm.s32 $0x8;
	s13 =	sor.u32 $0x8000, s13;
	[tilespmem:s16+$0x1830 ss:$0x81] =	vst.msk $0xffff, v6;
	v1 =	vld [tilespmem:s14+$0x30]  }
.LBB1_3:
0x44: {  	p1 =	sne.s32 s18, $0x1FC;
	v5 =	vld [tilespmem:s14+$0xFFFFFFD0];
	[tilespmem:s16+$0x2040 ss:$0x81] =	vst.msk $0xffff, v3  }
0x45: {  	v6 =	vld [tilespmem:s14+$0xFFFFFFE0];
	[tilespmem:s16+$0x2850 ss:$0x81] =	vst.msk $0xffff, v4  }
0x46: {  	s19 =	sshra.s32 s17, $0x2;
	s17 =	smov.u32 s18;
	v7 =	vld [tilespmem:s14+$0xFFFFFFF0];
	[tilespmem:s16+$0x3060 ss:$0x81] =	vst.msk $0xffff, v2  }
.Ltmp3:
0x47: {  	v3 =	vld [tilespmem:s14+$0x0];
	[tilespmem:s16+$0x0 ss:$0x81] =	vst.msk $0xffff, v0;
	s16 =	sadd.s32 s19, s15;
	(pc) =	sbr.rel @p1 .LBB1_3-.Ltmp3, $4  }
0x48: {  	v4 =	vld [tilespmem:s14+$0x10];
	[tilespmem:s16+$0x3870 ss:$0x81] =	vst.msk $0xffff, v1  }
0x49: {  	[tilespmem:s16+$0x810 ss:$0x81] =	vst.msk $0xffff, v5;
	v2 =	vld [tilespmem:s14+$0x20]  }
0x4a: {  	v0 =	vld [tilespmem:s14+$0xFFFFFFC0];
	[tilespmem:s16+$0x1020 ss:$0x81] =	vst.msk $0xffff, v6;
	s14 =	sadd.s32 $0x80, s14  }
0x4b: {  	s18 =	sadd.s32 $0x4, s18;
	v1 =	vld [tilespmem:s14+$0x30];
	[tilespmem:s16+$0x1830 ss:$0x81] =	vst.msk $0xffff, v7  }
.Ltmp4:
0x4c: {  	_ = 	snop;
	(pc) =	sbr.rel .LBB1_4-.Ltmp4, $1  }
0x4d: {  	_ =	sdelay $0x3  }
.LBB1_6:
0x4e: {  	_ =	sfence.sel $0x180000  }
0x4f: {  	s2 =	simm.s32 $0x1;
	[bflag:$0x0] =	sbarrier.arrive $0xFFFF  }
0x50: {  	s31 =	simm.s32 $0x2;
	[sflag:s2] =	ssyncpa.u1 $0x1  }
0x51: {  	[sflag:s31] =	ssyncpa.u1 $0x1  }
0x52: {  	p0 =	sne.s32 s0, $0x0;
	_ =	strace $0x9000004A  }
0x53: {  	s0 =	sadd.s32 @!p0 $0x100000, s1;
	[bflag:$0x2] =	sbarrier.arrive $0xFFFF  }
0x54: {  	[sflag:s0] =	ssyncadd.tile.s32 @!p0 $0x1;
	_ =	shalt  }
.Lfunc_end1:
_tile_overlayer_lowered:
.L_overlay_start_2:
0x55: {  	(tag) =	ssettag $0x2  }
0x56: {  	s0 =	rddreg [dreg:$0x0];
	s2 =	stileid.u32  }
0x57: {  	s1 =	rddreg [dreg:$0x1];
	p0 =	sne.s32 s2, $0x0  }
0x58: {  	s3 =	rddreg [dreg:$0x2];
	[bflag:$0x3] =	sbarrier.arrive $0xFFFF;
	s2 =	simm.s32 @!p0 $0x1C01  }
0x59: {  	[timem:s3], [sflag:s2] =	dma.local @!p0 [hbm:s0], s1  }
0x5a: {  	s0 =	simm.s32 @!p0 $0x1  }
0x5b: {  	_ =	swait.ge @!p0 [sflag:s0], s1  }
0x5c: {  	s1 =	ssub.s32 @!p0 $0x0, s1;
	[sflag:s0] =	ssyncset.done @!p0 $0x0  }
0x5d: {  	[sflag:s0] =	ssyncadd.s32 @!p0 s1  }
0x5e: {  	[bflag:$0x3] =	sbarrier.arrive $0xFFFF  }
0x5f: {  	_ =	shalt  }

</sc_bundles>
